<compile_context>
chip_gen: v7x
topology: tpu7x:2x2x1
jax: 0.10.2.dev20260603
libtpu: 0.0.44.dev20260713+nightly
codegen_flags: <defaults>
</compile_context>

<pallas_src>
import functools

import jax
import jax.numpy as jnp
from jax import lax
from jax.experimental import pallas as pl
from jax.experimental.pallas import tpu as pltpu

_B, _P, _J, _C, _MID = 64, 10, 15, 8, 128
_NP = _B * _P
_PB = 8
_GRID = _NP // _PB

_EPS = 1e-12


def _body(F_ref, poses_ref, Abig_ref, Wc_ref, bc_ref, Wjt_ref, bjt_ref,
          Wsmv_ref, Wnmv_ref, bmv_ref, Wsp_ref, Wnp_ref, bp_ref,
          Wreg_ref, breg_ref, wcls_ref, bcls_ref,
          coords_ref, cls_ref):
    F = F_ref[...]
    poses = poses_ref[...]

    lane = lax.broadcasted_iota(jnp.int32, poses.shape, 2)
    inv_size = jnp.where(lane == 2, 0.5, 0.125).astype(jnp.float32)
    corner = jnp.where(lane == 2, 0.0, -4.0).astype(jnp.float32)
    normed = jnp.clip((poses - corner) * inv_size, 0.0, 1.0)

    w0 = Wc_ref[0:1, :].reshape(1, 1, _MID)
    w1 = Wc_ref[1:2, :].reshape(1, 1, _MID)
    w2 = Wc_ref[2:3, :].reshape(1, 1, _MID)
    pe = (normed[:, :, 0:1] * w0 + normed[:, :, 1:2] * w1
          + normed[:, :, 2:3] * w2 + bc_ref[...].reshape(1, 1, _MID))

    base = pe + Wjt_ref[...].reshape(1, _J, _MID) + bjt_ref[...].reshape(1, 1, _MID)

    Wd = Wsmv_ref[...] - Wnmv_ref[...]
    Wn = Wnmv_ref[...]
    Fm = F.reshape(_PB * _J * _C, _MID)
    G = jnp.dot(Fm, Wd, preferred_element_type=jnp.float32)
    G4 = G.reshape(_PB, _J, _C, _MID)

    Fsum = F.reshape(_PB, _J, _C, _MID).sum(axis=2)
    group_sum = Fsum + jnp.float32(_C) * base

    bflat = base.reshape(_PB * _J, _MID)
    gflat = group_sum.reshape(_PB * _J, _MID)
    H = (jnp.dot(bflat, Wd, preferred_element_type=jnp.float32)
         + jnp.dot(gflat, Wn, preferred_element_type=jnp.float32)
         + bmv_ref[...])

    kp = jax.nn.relu(G4 + H.reshape(_PB, _J, 1, _MID)).sum(axis=2)
    kpf = kp.reshape(_PB * _J, _MID)

    aggp = jnp.dot(Abig_ref[...], kpf, preferred_element_type=jnp.float32)
    kp2 = jax.nn.relu(jnp.dot(kpf, Wsp_ref[...], preferred_element_type=jnp.float32)
                      + jnp.dot(aggp, Wnp_ref[...], preferred_element_type=jnp.float32)
                      + bp_ref[...])

    reg = jnp.dot(kp2, Wreg_ref[...], preferred_element_type=jnp.float32) + breg_ref[...]
    x1 = jnp.clip(normed, _EPS, None)
    x2 = jnp.clip(1.0 - normed, _EPS, None)
    logit = jnp.log(x1) - jnp.log(x2)
    coords_ref[...] = jax.nn.sigmoid(logit + reg.reshape(_PB, _J, 3))

    clsv = jnp.dot(kp2, wcls_ref[...], preferred_element_type=jnp.float32) + bcls_ref[...]
    cls_ref[...] = jax.nn.sigmoid(clsv).reshape(_PB, _J, 1).mean(axis=1)


@functools.partial(jax.jit, static_argnames=())
def kernel(multiview_features, poses, mv_edge_index, pose_edge_index,
           W_coord, b_coord, W_jt, b_jt, W_self_mv, W_nbr_mv, b_mv,
           W_self_pose, W_nbr_pose, b_pose, W_reg, b_reg, w_cls, b_cls):
    src = pose_edge_index[0] % _J
    dst = pose_edge_index[1] % _J
    A = jnp.zeros((_J, _J), jnp.float32).at[dst, src].add(1.0) / jnp.float32(_NP)
    Abig = jnp.kron(jnp.eye(_PB, dtype=jnp.float32), A)

    F3 = multiview_features.reshape(_NP, _J * _C, _MID)
    poses3 = poses.reshape(_NP, _J, 3)

    full = lambda shape: pl.BlockSpec(shape, lambda i: (0,) * len(shape))

    coords, cls = pl.pallas_call(
        _body,
        grid=(_GRID,),
        in_specs=[
            pl.BlockSpec((_PB, _J * _C, _MID), lambda i: (i, 0, 0)),
            pl.BlockSpec((_PB, _J, 3), lambda i: (i, 0, 0)),
            full((_PB * _J, _PB * _J)),
            full((3, _MID)),
            full((1, _MID)),
            full((_J, _MID)),
            full((1, _MID)),
            full((_MID, _MID)),
            full((_MID, _MID)),
            full((1, _MID)),
            full((_MID, _MID)),
            full((_MID, _MID)),
            full((1, _MID)),
            full((_MID, 3)),
            full((1, 3)),
            full((_MID, 1)),
            full((1, 1)),
        ],
        out_specs=[
            pl.BlockSpec((_PB, _J, 3), lambda i: (i, 0, 0)),
            pl.BlockSpec((_PB, 1), lambda i: (i, 0)),
        ],
        out_shape=[
            jax.ShapeDtypeStruct((_NP, _J, 3), jnp.float32),
            jax.ShapeDtypeStruct((_NP, 1), jnp.float32),
        ],
        compiler_params=pltpu.CompilerParams(
            dimension_semantics=("arbitrary",),
        ),
    )(F3, poses3, Abig,
      W_coord, b_coord.reshape(1, _MID), W_jt, b_jt.reshape(1, _MID),
      W_self_mv, W_nbr_mv, b_mv.reshape(1, _MID),
      W_self_pose, W_nbr_pose, b_pose.reshape(1, _MID),
      W_reg, b_reg.reshape(1, 3), w_cls, b_cls.reshape(1, 1))

    return coords.reshape(_B, _P, _J, 3), cls.reshape(_B, _P)

# --- scband reference (transcript-rebuilt; emitter-appended) ---
"""Pipeline reference for scband-pose-regression-module-17463337026051 (READ-ONLY COPY).

The authoritative reference and input builder live on the scoring server;
editing this copy changes nothing except your own understanding.
"""

import jax, jax.numpy as jnp
import numpy as np
import itertools

B, P, J, C, MID = 64, 10, 15, 8, 128
SPACE_SIZE = np.array([8.0, 8.0, 2.0], dtype=np.float32)
SPACE_CENTER = np.array([0.0, 0.0, 1.0], dtype=np.float32)
SPACE_CORNER = SPACE_CENTER - 0.5 * SPACE_SIZE
SKELETON = np.array([[0, 1], [1, 2], [2, 3], [3, 4], [1, 5], [5, 6], [6, 7], [1, 8], [8, 9], [9, 10], [10, 11], [8, 12], [12, 13], [13, 14]], dtype=np.int64)


def _build_edges():
    pairs = np.array(list(itertools.combinations(range(C), 2)), dtype=np.int64)
    cross = (pairs[None] + np.arange(J, dtype=np.int64)[:, None, None] * C).reshape(-1, 2)
    off_mv = np.arange(B * P, dtype=np.int64)[:, None, None] * (J * C)
    mv = (cross[None] + off_mv).reshape(-1, 2)
    mv = np.concatenate([mv, mv[:, ::-1]], axis=0).T
    off_p = np.arange(B * P, dtype=np.int64)[:, None, None] * J
    pe = (SKELETON[None] + off_p).reshape(-1, 2)
    pe = np.concatenate([pe, pe[:, ::-1]], axis=0).T
    return jnp.asarray(mv), jnp.asarray(pe)


def setup_inputs(seed: int = 0):
    key = jax.random.key(seed)
    ks = jax.random.split(key, 20)
    mv_edge_index, pose_edge_index = _build_edges()
    s = 0.02
    return {
        'multiview_features': jax.random.normal(ks[0], (B * P * J * C, MID), dtype=jnp.float32),
        'poses': jax.random.uniform(ks[1], (B, P, J, 3), dtype=jnp.float32),
        'mv_edge_index': mv_edge_index,
        'pose_edge_index': pose_edge_index,
        'W_coord': jax.random.normal(ks[2], (3, MID), dtype=jnp.float32) * s,
        'b_coord': jnp.zeros((MID,), dtype=jnp.float32),
        'W_jt': jax.random.normal(ks[3], (J, MID), dtype=jnp.float32) * s,
        'b_jt': jnp.zeros((MID,), dtype=jnp.float32),
        'W_self_mv': jax.random.normal(ks[4], (MID, MID), dtype=jnp.float32) * s,
        'W_nbr_mv': jax.random.normal(ks[5], (MID, MID), dtype=jnp.float32) * s,
        'b_mv': jnp.zeros((MID,), dtype=jnp.float32),
        'W_self_pose': jax.random.normal(ks[6], (MID, MID), dtype=jnp.float32) * s,
        'W_nbr_pose': jax.random.normal(ks[7], (MID, MID), dtype=jnp.float32) * s,
        'b_pose': jnp.zeros((MID,), dtype=jnp.float32),
        'W_reg': jax.random.normal(ks[8], (MID, 3), dtype=jnp.float32) * s,
        'b_reg': jnp.zeros((3,), dtype=jnp.float32),
        'w_cls': jax.random.normal(ks[9], (MID, 1), dtype=jnp.float32) * s,
        'b_cls': jnp.zeros((1,), dtype=jnp.float32),
    }


def inverse_sigmoid(x, eps=1e-12):
    x = jnp.clip(x, 0.0, 1.0)
    x1 = jnp.clip(x, eps, None)
    x2 = jnp.clip(1.0 - x, eps, None)
    return jnp.log(x1 / x2)


def gcn_layer(x, edge_index, W_self, W_nbr, b):
    src = edge_index[0]
    dst = edge_index[1]
    msgs = jnp.take(x, src, axis=0)
    agg = jax.ops.segment_sum(msgs, dst, num_segments=x.shape[0])
    return jax.nn.relu(x @ W_self + agg @ W_nbr + b)


def reference(multiview_features, poses, mv_edge_index, pose_edge_index, W_coord, b_coord, W_jt, b_jt, W_self_mv, W_nbr_mv, b_mv, W_self_pose, W_nbr_pose, b_pose, W_reg, b_reg, w_cls, b_cls):
    size = jnp.asarray(SPACE_SIZE)
    corner = jnp.asarray(SPACE_CORNER)
    normed = jnp.clip((poses[..., :3].reshape(-1, 3) - corner) / size, 0.0, 1.0)
    jt_emb = jnp.eye(J, dtype=jnp.float32) @ W_jt + b_jt
    feats = multiview_features.reshape(-1, J, C, MID) + jt_emb[None, :, None, :]
    pos_emb = normed @ W_coord + b_coord
    feats = feats.reshape(-1, MID) + jnp.repeat(pos_emb, C, axis=0)
    mv_out = gcn_layer(feats, mv_edge_index, W_self_mv, W_nbr_mv, b_mv)
    kp = mv_out.reshape(-1, C, MID).sum(axis=1)
    kp = gcn_layer(kp, pose_edge_index, W_self_pose, W_nbr_pose, b_pose)
    coord_logits = inverse_sigmoid(normed)
    regression = kp @ W_reg + b_reg
    new_coords = jax.nn.sigmoid(coord_logits + regression)
    cls_scores = jax.nn.sigmoid(kp @ w_cls + b_cls)[..., 0].reshape(B, P, J).mean(axis=-1)
    return new_coords.reshape(B, P, J, 3), cls_scores

if __name__ == "__main__":
    import jax
    _d = setup_inputs()
    print(jax.jit(kernel)(*tuple(_d.values())))

</pallas_src>

<mosaic_0001>
module attributes {stable_mosaic.version = 14 : i64} {
  func.func @_body(%arg0: i32, %arg1: memref<8x120x128xf32, #tpu.memory_space<vmem>>, %arg2: memref<8x15x3xf32, #tpu.memory_space<vmem>>, %arg3: memref<120x120xf32, #tpu.memory_space<vmem>>, %arg4: memref<3x128xf32, #tpu.memory_space<vmem>>, %arg5: memref<1x128xf32, #tpu.memory_space<vmem>>, %arg6: memref<15x128xf32, #tpu.memory_space<vmem>>, %arg7: memref<1x128xf32, #tpu.memory_space<vmem>>, %arg8: memref<128x128xf32, #tpu.memory_space<vmem>>, %arg9: memref<128x128xf32, #tpu.memory_space<vmem>>, %arg10: memref<1x128xf32, #tpu.memory_space<vmem>>, %arg11: memref<128x128xf32, #tpu.memory_space<vmem>>, %arg12: memref<128x128xf32, #tpu.memory_space<vmem>>, %arg13: memref<1x128xf32, #tpu.memory_space<vmem>>, %arg14: memref<128x3xf32, #tpu.memory_space<vmem>>, %arg15: memref<1x3xf32, #tpu.memory_space<vmem>>, %arg16: memref<128x1xf32, #tpu.memory_space<vmem>>, %arg17: memref<1x1xf32, #tpu.memory_space<vmem>>, %arg18: memref<8x15x3xf32, #tpu.memory_space<vmem>>, %arg19: memref<8x1xf32, #tpu.memory_space<vmem>>) attributes {dimension_semantics = [#tpu.dimension_semantics<arbitrary>], iteration_bounds = array<i64: 80>, scalar_prefetch = 0 : i64, scratch_operands = 0 : i64, tpu.core_type = #tpu.core_type<tc>, window_params = [{transform_indices = @transform_0, window_bounds = array<i64: 8, 120, 128>}, {transform_indices = @transform_1, window_bounds = array<i64: 8, 15, 3>}, {pipeline_mode = #tpu.pipeline_mode<synchronous>, transform_indices = @transform_2, window_bounds = array<i64: 120, 120>}, {pipeline_mode = #tpu.pipeline_mode<synchronous>, transform_indices = @transform_3, window_bounds = array<i64: 3, 128>}, {pipeline_mode = #tpu.pipeline_mode<synchronous>, transform_indices = @transform_4, window_bounds = array<i64: 1, 128>}, {pipeline_mode = #tpu.pipeline_mode<synchronous>, transform_indices = @transform_5, window_bounds = array<i64: 15, 128>}, {pipeline_mode = #tpu.pipeline_mode<synchronous>, transform_indices = @transform_6, window_bounds = array<i64: 1, 128>}, {pipeline_mode = #tpu.pipeline_mode<synchronous>, transform_indices = @transform_7, window_bounds = array<i64: 128, 128>}, {pipeline_mode = #tpu.pipeline_mode<synchronous>, transform_indices = @transform_8, window_bounds = array<i64: 128, 128>}, {pipeline_mode = #tpu.pipeline_mode<synchronous>, transform_indices = @transform_9, window_bounds = array<i64: 1, 128>}, {pipeline_mode = #tpu.pipeline_mode<synchronous>, transform_indices = @transform_10, window_bounds = array<i64: 128, 128>}, {pipeline_mode = #tpu.pipeline_mode<synchronous>, transform_indices = @transform_11, window_bounds = array<i64: 128, 128>}, {pipeline_mode = #tpu.pipeline_mode<synchronous>, transform_indices = @transform_12, window_bounds = array<i64: 1, 128>}, {pipeline_mode = #tpu.pipeline_mode<synchronous>, transform_indices = @transform_13, window_bounds = array<i64: 128, 3>}, {pipeline_mode = #tpu.pipeline_mode<synchronous>, transform_indices = @transform_14, window_bounds = array<i64: 1, 3>}, {pipeline_mode = #tpu.pipeline_mode<synchronous>, transform_indices = @transform_15, window_bounds = array<i64: 128, 1>}, {pipeline_mode = #tpu.pipeline_mode<synchronous>, transform_indices = @transform_16, window_bounds = array<i64: 1, 1>}, {transform_indices = @transform_17, window_bounds = array<i64: 8, 15, 3>}, {transform_indices = @transform_18, window_bounds = array<i64: 8, 1>}]} {
    %get3A = arith.constant 0 : index
    %get3A_0 = arith.constant 0 : index
    %get3A_1 = arith.constant 0 : index
    %get3A_2 = vector.load %arg1[%get3A, %get3A_0, %get3A_1] : memref<8x120x128xf32, #tpu.memory_space<vmem>>, vector<8x120x128xf32>
    %get3A_3 = arith.constant 0 : index
    %get3A_4 = arith.constant 0 : index
    %get3A_5 = arith.constant 0 : index
    %get3A_6 = vector.load %arg2[%get3A_3, %get3A_4, %get3A_5] : memref<8x15x3xf32, #tpu.memory_space<vmem>>, vector<8x15x3xf32>
    %iota3A = tpu.iota {dimensions = array<i32: 2>} : vector<8x15x3xi32>
    %eq3A = arith.constant 2 : i32
    %eq3A_7 = vector.broadcast %eq3A : i32 to vector<8x15x3xi32>
    %eq3A_8 = arith.cmpi eq, %iota3A, %eq3A_7 : vector<8x15x3xi32>
    %jit3A = arith.constant 5.000000e-01 : f32
    %jit3A_9 = arith.constant 1.250000e-01 : f32
    %broadcast_in_dim3A = vector.broadcast %jit3A : f32 to vector<8x15x3xf32>
    %broadcast_in_dim3A_10 = vector.broadcast %jit3A_9 : f32 to vector<8x15x3xf32>
    %select_n3A = arith.select %eq3A_8, %broadcast_in_dim3A, %broadcast_in_dim3A_10 : vector<8x15x3xi1>, vector<8x15x3xf32>
    %eq3A_11 = arith.constant 2 : i32
    %eq3A_12 = vector.broadcast %eq3A_11 : i32 to vector<8x15x3xi32>
    %eq3A_13 = arith.cmpi eq, %iota3A, %eq3A_12 : vector<8x15x3xi32>
    %jit3A_14 = arith.constant 0.000000e+00 : f32
    %jit3A_15 = arith.constant -4.000000e+00 : f32
    %broadcast_in_dim3A_16 = vector.broadcast %jit3A_14 : f32 to vector<8x15x3xf32>
    %broadcast_in_dim3A_17 = vector.broadcast %jit3A_15 : f32 to vector<8x15x3xf32>
    %select_n3A_18 = arith.select %eq3A_13, %broadcast_in_dim3A_16, %broadcast_in_dim3A_17 : vector<8x15x3xi1>, vector<8x15x3xf32>
    %sub3A = arith.subf %get3A_6, %select_n3A_18 : vector<8x15x3xf32>
    %mul3A = arith.mulf %sub3A, %select_n3A : vector<8x15x3xf32>
    %jit3A_19 = arith.constant 0.000000e+00 : f32
    %jit3A_20 = arith.constant 1.000000e+00 : f32
    %max3A = vector.broadcast %jit3A_19 : f32 to vector<8x15x3xf32>
    %max3A_21 = arith.maximumf %max3A, %mul3A : vector<8x15x3xf32>
    %min3A = vector.broadcast %jit3A_20 : f32 to vector<8x15x3xf32>
    %min3A_22 = arith.minimumf %min3A, %max3A_21 : vector<8x15x3xf32>
    %get3A_23 = arith.constant 0 : index
    %get3A_24 = arith.constant 0 : index
    %get3A_25 = vector.load %arg4[%get3A_23, %get3A_24] : memref<3x128xf32, #tpu.memory_space<vmem>>, vector<1x128xf32>
    %reshape3A = vector.shape_cast %get3A_25 : vector<1x128xf32> to vector<1x1x128xf32>
    %get3A_26 = arith.constant 1 : index
    %get3A_27 = arith.constant 0 : index
    %get3A_28 = vector.load %arg4[%get3A_26, %get3A_27] : memref<3x128xf32, #tpu.memory_space<vmem>>, vector<1x128xf32>
    %reshape3A_29 = vector.shape_cast %get3A_28 : vector<1x128xf32> to vector<1x1x128xf32>
    %get3A_30 = arith.constant 2 : index
    %get3A_31 = arith.constant 0 : index
    %get3A_32 = vector.load %arg4[%get3A_30, %get3A_31] : memref<3x128xf32, #tpu.memory_space<vmem>>, vector<1x128xf32>
    %reshape3A_33 = vector.shape_cast %get3A_32 : vector<1x128xf32> to vector<1x1x128xf32>
    %slice3A = vector.extract_strided_slice %min3A_22 {offsets = [0, 0, 0], sizes = [8, 15, 1], strides = [1, 1, 1]} : vector<8x15x3xf32> to vector<8x15x1xf32>
    %mul3A_34 = vector.broadcast %slice3A : vector<8x15x1xf32> to vector<8x15x128xf32>
    %mul3A_35 = vector.broadcast %reshape3A : vector<1x1x128xf32> to vector<8x15x128xf32>
    %mul3A_36 = arith.mulf %mul3A_34, %mul3A_35 : vector<8x15x128xf32>
    %slice3A_37 = vector.extract_strided_slice %min3A_22 {offsets = [0, 0, 1], sizes = [8, 15, 1], strides = [1, 1, 1]} : vector<8x15x3xf32> to vector<8x15x1xf32>
    %mul3A_38 = vector.broadcast %slice3A_37 : vector<8x15x1xf32> to vector<8x15x128xf32>
    %mul3A_39 = vector.broadcast %reshape3A_29 : vector<1x1x128xf32> to vector<8x15x128xf32>
    %mul3A_40 = arith.mulf %mul3A_38, %mul3A_39 : vector<8x15x128xf32>
    %add3A = arith.addf %mul3A_36, %mul3A_40 : vector<8x15x128xf32>
    %slice3A_41 = vector.extract_strided_slice %min3A_22 {offsets = [0, 0, 2], sizes = [8, 15, 1], strides = [1, 1, 1]} : vector<8x15x3xf32> to vector<8x15x1xf32>
    %mul3A_42 = vector.broadcast %slice3A_41 : vector<8x15x1xf32> to vector<8x15x128xf32>
    %mul3A_43 = vector.broadcast %reshape3A_33 : vector<1x1x128xf32> to vector<8x15x128xf32>
    %mul3A_44 = arith.mulf %mul3A_42, %mul3A_43 : vector<8x15x128xf32>
    %add3A_45 = arith.addf %add3A, %mul3A_44 : vector<8x15x128xf32>
    %get3A_46 = arith.constant 0 : index
    %get3A_47 = arith.constant 0 : index
    %get3A_48 = vector.load %arg5[%get3A_46, %get3A_47] : memref<1x128xf32, #tpu.memory_space<vmem>>, vector<1x128xf32>
    %reshape3A_49 = vector.shape_cast %get3A_48 : vector<1x128xf32> to vector<1x1x128xf32>
    %add3A_50 = vector.broadcast %reshape3A_49 : vector<1x1x128xf32> to vector<8x15x128xf32>
    %add3A_51 = arith.addf %add3A_45, %add3A_50 : vector<8x15x128xf32>
    %get3A_52 = arith.constant 0 : index
    %get3A_53 = arith.constant 0 : index
    %get3A_54 = vector.load %arg6[%get3A_52, %get3A_53] : memref<15x128xf32, #tpu.memory_space<vmem>>, vector<15x128xf32>
    %reshape3A_55 = vector.shape_cast %get3A_54 : vector<15x128xf32> to vector<1x15x128xf32>
    %add3A_56 = vector.broadcast %reshape3A_55 : vector<1x15x128xf32> to vector<8x15x128xf32>
    %add3A_57 = arith.addf %add3A_51, %add3A_56 : vector<8x15x128xf32>
    %get3A_58 = arith.constant 0 : index
    %get3A_59 = arith.constant 0 : index
    %get3A_60 = vector.load %arg7[%get3A_58, %get3A_59] : memref<1x128xf32, #tpu.memory_space<vmem>>, vector<1x128xf32>
    %reshape3A_61 = vector.shape_cast %get3A_60 : vector<1x128xf32> to vector<1x1x128xf32>
    %add3A_62 = vector.broadcast %reshape3A_61 : vector<1x1x128xf32> to vector<8x15x128xf32>
    %add3A_63 = arith.addf %add3A_57, %add3A_62 : vector<8x15x128xf32>
    %get3A_64 = arith.constant 0 : index
    %get3A_65 = arith.constant 0 : index
    %get3A_66 = vector.load %arg8[%get3A_64, %get3A_65] : memref<128x128xf32, #tpu.memory_space<vmem>>, vector<128x128xf32>
    %get3A_67 = arith.constant 0 : index
    %get3A_68 = arith.constant 0 : index
    %get3A_69 = vector.load %arg9[%get3A_67, %get3A_68] : memref<128x128xf32, #tpu.memory_space<vmem>>, vector<128x128xf32>
    %sub3A_70 = arith.subf %get3A_66, %get3A_69 : vector<128x128xf32>
    %get3A_71 = arith.constant 0 : index
    %get3A_72 = arith.constant 0 : index
    %get3A_73 = vector.load %arg9[%get3A_71, %get3A_72] : memref<128x128xf32, #tpu.memory_space<vmem>>, vector<128x128xf32>
    %reshape3A_74 = vector.shape_cast %get3A_2 : vector<8x120x128xf32> to vector<960x128xf32>
    %dot_general3A = arith.constant dense<0.000000e+00> : vector<960x128xf32>
    %dot_general3A_75 = tpu.matmul %reshape3A_74, %sub3A_70, %dot_general3A {dimension_numbers = #tpu.dot_dimension_numbers<[1], [0], [0], [1], [0, 0, 1, 1], [], []>, transpose_lhs_hint = false} : vector<960x128xf32>, vector<128x128xf32>, vector<960x128xf32> -> vector<960x128xf32>
    %reshape3A_76 = vector.shape_cast %dot_general3A_75 : vector<960x128xf32> to vector<8x15x8x128xf32>
    %reshape3A_77 = vector.shape_cast %get3A_2 : vector<8x120x128xf32> to vector<8x15x8x128xf32>
    %reduce_sum3A = arith.constant dense<0.000000e+00> : vector<8x15x128xf32>
    %reduce_sum3A_78 = vector.multi_reduction <add>, %reshape3A_77, %reduce_sum3A [2] : vector<8x15x8x128xf32> to vector<8x15x128xf32>
    %mul3A_79 = arith.constant 8.000000e+00 : f32
    %mul3A_80 = vector.broadcast %mul3A_79 : f32 to vector<8x15x128xf32>
    %mul3A_81 = arith.mulf %mul3A_80, %add3A_63 : vector<8x15x128xf32>
    %add3A_82 = arith.addf %reduce_sum3A_78, %mul3A_81 : vector<8x15x128xf32>
    %reshape3A_83 = vector.shape_cast %add3A_63 : vector<8x15x128xf32> to vector<120x128xf32>
    %reshape3A_84 = vector.shape_cast %add3A_82 : vector<8x15x128xf32> to vector<120x128xf32>
    %dot_general3A_85 = arith.constant dense<0.000000e+00> : vector<120x128xf32>
    %dot_general3A_86 = tpu.matmul %reshape3A_83, %sub3A_70, %dot_general3A_85 {dimension_numbers = #tpu.dot_dimension_numbers<[1], [0], [0], [1], [0, 0, 1, 1], [], []>, transpose_lhs_hint = false} : vector<120x128xf32>, vector<128x128xf32>, vector<120x128xf32> -> vector<120x128xf32>
    %dot_general3A_87 = arith.constant dense<0.000000e+00> : vector<120x128xf32>
    %dot_general3A_88 = tpu.matmul %reshape3A_84, %get3A_73, %dot_general3A_87 {dimension_numbers = #tpu.dot_dimension_numbers<[1], [0], [0], [1], [0, 0, 1, 1], [], []>, transpose_lhs_hint = false} : vector<120x128xf32>, vector<128x128xf32>, vector<120x128xf32> -> vector<120x128xf32>
    %add3A_89 = arith.addf %dot_general3A_86, %dot_general3A_88 : vector<120x128xf32>
    %get3A_90 = arith.constant 0 : index
    %get3A_91 = arith.constant 0 : index
    %get3A_92 = vector.load %arg10[%get3A_90, %get3A_91] : memref<1x128xf32, #tpu.memory_space<vmem>>, vector<1x128xf32>
    %add3A_93 = vector.broadcast %get3A_92 : vector<1x128xf32> to vector<120x128xf32>
    %add3A_94 = arith.addf %add3A_89, %add3A_93 : vector<120x128xf32>
    %reshape3A_95 = vector.shape_cast %add3A_94 : vector<120x128xf32> to vector<8x15x1x128xf32>
    %add3A_96 = vector.broadcast %reshape3A_95 : vector<8x15x1x128xf32> to vector<8x15x8x128xf32>
    %add3A_97 = arith.addf %reshape3A_76, %add3A_96 : vector<8x15x8x128xf32>
    %max3A_98 = arith.constant 0.000000e+00 : f32
    %max3A_99 = vector.broadcast %max3A_98 : f32 to vector<8x15x8x128xf32>
    %max3A_100 = arith.maximumf %add3A_97, %max3A_99 : vector<8x15x8x128xf32>
    %reduce_sum3A_101 = arith.constant dense<0.000000e+00> : vector<8x15x128xf32>
    %reduce_sum3A_102 = vector.multi_reduction <add>, %max3A_100, %reduce_sum3A_101 [2] : vector<8x15x8x128xf32> to vector<8x15x128xf32>
    %reshape3A_103 = vector.shape_cast %reduce_sum3A_102 : vector<8x15x128xf32> to vector<120x128xf32>
    %get3A_104 = arith.constant 0 : index
    %get3A_105 = arith.constant 0 : index
    %get3A_106 = vector.load %arg3[%get3A_104, %get3A_105] : memref<120x120xf32, #tpu.memory_space<vmem>>, vector<120x120xf32>
    %dot_general3A_107 = arith.constant dense<0.000000e+00> : vector<120x128xf32>
    %dot_general3A_108 = tpu.matmul %get3A_106, %reshape3A_103, %dot_general3A_107 {dimension_numbers = #tpu.dot_dimension_numbers<[1], [0], [0], [1], [0, 0, 1, 1], [], []>, transpose_lhs_hint = false} : vector<120x120xf32>, vector<120x128xf32>, vector<120x128xf32> -> vector<120x128xf32>
    %get3A_109 = arith.constant 0 : index
    %get3A_110 = arith.constant 0 : index
    %get3A_111 = vector.load %arg11[%get3A_109, %get3A_110] : memref<128x128xf32, #tpu.memory_space<vmem>>, vector<128x128xf32>
    %dot_general3A_112 = arith.constant dense<0.000000e+00> : vector<120x128xf32>
    %dot_general3A_113 = tpu.matmul %reshape3A_103, %get3A_111, %dot_general3A_112 {dimension_numbers = #tpu.dot_dimension_numbers<[1], [0], [0], [1], [0, 0, 1, 1], [], []>, transpose_lhs_hint = false} : vector<120x128xf32>, vector<128x128xf32>, vector<120x128xf32> -> vector<120x128xf32>
    %get3A_114 = arith.constant 0 : index
    %get3A_115 = arith.constant 0 : index
    %get3A_116 = vector.load %arg12[%get3A_114, %get3A_115] : memref<128x128xf32, #tpu.memory_space<vmem>>, vector<128x128xf32>
    %dot_general3A_117 = arith.constant dense<0.000000e+00> : vector<120x128xf32>
    %dot_general3A_118 = tpu.matmul %dot_general3A_108, %get3A_116, %dot_general3A_117 {dimension_numbers = #tpu.dot_dimension_numbers<[1], [0], [0], [1], [0, 0, 1, 1], [], []>, transpose_lhs_hint = false} : vector<120x128xf32>, vector<128x128xf32>, vector<120x128xf32> -> vector<120x128xf32>
    %add3A_119 = arith.addf %dot_general3A_113, %dot_general3A_118 : vector<120x128xf32>
    %get3A_120 = arith.constant 0 : index
    %get3A_121 = arith.constant 0 : index
    %get3A_122 = vector.load %arg13[%get3A_120, %get3A_121] : memref<1x128xf32, #tpu.memory_space<vmem>>, vector<1x128xf32>
    %add3A_123 = vector.broadcast %get3A_122 : vector<1x128xf32> to vector<120x128xf32>
    %add3A_124 = arith.addf %add3A_119, %add3A_123 : vector<120x128xf32>
    %max3A_125 = arith.constant 0.000000e+00 : f32
    %max3A_126 = vector.broadcast %max3A_125 : f32 to vector<120x128xf32>
    %max3A_127 = arith.maximumf %add3A_124, %max3A_126 : vector<120x128xf32>
    %get3A_128 = arith.constant 0 : index
    %get3A_129 = arith.constant 0 : index
    %get3A_130 = vector.load %arg14[%get3A_128, %get3A_129] : memref<128x3xf32, #tpu.memory_space<vmem>>, vector<128x3xf32>
    %dot_general3A_131 = arith.constant dense<0.000000e+00> : vector<120x3xf32>
    %dot_general3A_132 = tpu.matmul %max3A_127, %get3A_130, %dot_general3A_131 {dimension_numbers = #tpu.dot_dimension_numbers<[1], [0], [0], [1], [0, 0, 1, 1], [], []>, transpose_lhs_hint = false} : vector<120x128xf32>, vector<128x3xf32>, vector<120x3xf32> -> vector<120x3xf32>
    %get3A_133 = arith.constant 0 : index
    %get3A_134 = arith.constant 0 : index
    %get3A_135 = vector.load %arg15[%get3A_133, %get3A_134] : memref<1x3xf32, #tpu.memory_space<vmem>>, vector<1x3xf32>
    %add3A_136 = vector.broadcast %get3A_135 : vector<1x3xf32> to vector<120x3xf32>
    %add3A_137 = arith.addf %dot_general3A_132, %add3A_136 : vector<120x3xf32>
    %jit3A_138 = arith.constant 9.99999996E-13 : f32
    %max3A_139 = vector.broadcast %jit3A_138 : f32 to vector<8x15x3xf32>
    %max3A_140 = arith.maximumf %max3A_139, %min3A_22 : vector<8x15x3xf32>
    %sub3A_141 = arith.constant 1.000000e+00 : f32
    %sub3A_142 = vector.broadcast %sub3A_141 : f32 to vector<8x15x3xf32>
    %sub3A_143 = arith.subf %sub3A_142, %min3A_22 : vector<8x15x3xf32>
    %jit3A_144 = arith.constant 9.99999996E-13 : f32
    %max3A_145 = vector.broadcast %jit3A_144 : f32 to vector<8x15x3xf32>
    %max3A_146 = arith.maximumf %max3A_145, %sub3A_143 : vector<8x15x3xf32>
    %log3A = math.log %max3A_140 : vector<8x15x3xf32>
    %log3A_147 = math.log %max3A_146 : vector<8x15x3xf32>
    %sub3A_148 = arith.subf %log3A, %log3A_147 : vector<8x15x3xf32>
    %reshape3A_149 = vector.shape_cast %add3A_137 : vector<120x3xf32> to vector<8x15x3xf32>
    %add3A_150 = arith.addf %sub3A_148, %reshape3A_149 : vector<8x15x3xf32>
    %logistic3A = arith.negf %add3A_150 : vector<8x15x3xf32>
    %logistic3A_151 = math.exp %logistic3A : vector<8x15x3xf32>
    %logistic3A_152 = arith.constant 1.000000e+00 : f32
    %logistic3A_153 = vector.broadcast %logistic3A_152 : f32 to vector<8x15x3xf32>
    %logistic3A_154 = arith.addf %logistic3A_153, %logistic3A_151 : vector<8x15x3xf32>
    %logistic3A_155 = arith.divf %logistic3A_153, %logistic3A_154 : vector<8x15x3xf32>
    %swap3A = arith.constant 0 : index
    %swap3A_156 = arith.constant 0 : index
    %swap3A_157 = arith.constant 0 : index
    %swap3A_158 = vector.load %arg18[%swap3A, %swap3A_156, %swap3A_157] : memref<8x15x3xf32, #tpu.memory_space<vmem>>, vector<8x15x3xf32>
    tpu.vector_store %arg18[%swap3A, %swap3A_156, %swap3A_157], %logistic3A_155 {strides = array<i32>} : memref<8x15x3xf32, #tpu.memory_space<vmem>>, vector<8x15x3xf32>,
    %get3A_159 = arith.constant 0 : index
    %get3A_160 = arith.constant 0 : index
    %get3A_161 = vector.load %arg16[%get3A_159, %get3A_160] : memref<128x1xf32, #tpu.memory_space<vmem>>, vector<128x1xf32>
    %dot_general3A_162 = arith.constant dense<0.000000e+00> : vector<120x1xf32>
    %dot_general3A_163 = tpu.matmul %max3A_127, %get3A_161, %dot_general3A_162 {dimension_numbers = #tpu.dot_dimension_numbers<[1], [0], [0], [1], [0, 0, 1, 1], [], []>, transpose_lhs_hint = false} : vector<120x128xf32>, vector<128x1xf32>, vector<120x1xf32> -> vector<120x1xf32>
    %get3A_164 = arith.constant 0 : index
    %get3A_165 = arith.constant 0 : index
    %get3A_166 = vector.load %arg17[%get3A_164, %get3A_165] : memref<1x1xf32, #tpu.memory_space<vmem>>, vector<1x1xf32>
    %add3A_167 = vector.broadcast %get3A_166 : vector<1x1xf32> to vector<120x1xf32>
    %add3A_168 = arith.addf %dot_general3A_163, %add3A_167 : vector<120x1xf32>
    %logistic3A_169 = arith.negf %add3A_168 : vector<120x1xf32>
    %logistic3A_170 = math.exp %logistic3A_169 : vector<120x1xf32>
    %logistic3A_171 = arith.constant 1.000000e+00 : f32
    %logistic3A_172 = vector.broadcast %logistic3A_171 : f32 to vector<120x1xf32>
    %logistic3A_173 = arith.addf %logistic3A_172, %logistic3A_170 : vector<120x1xf32>
    %logistic3A_174 = arith.divf %logistic3A_172, %logistic3A_173 : vector<120x1xf32>
    %reshape3A_175 = vector.shape_cast %logistic3A_174 : vector<120x1xf32> to vector<8x15x1xf32>
    %reduce_sum3A_176 = arith.constant dense<0.000000e+00> : vector<8x1xf32>
    %reduce_sum3A_177 = vector.multi_reduction <add>, %reshape3A_175, %reduce_sum3A_176 [1] : vector<8x15x1xf32> to vector<8x1xf32>
    %div3A = arith.constant 1.500000e+01 : f32
    %div3A_178 = vector.broadcast %div3A : f32 to vector<8x1xf32>
    %div3A_179 = arith.divf %reduce_sum3A_177, %div3A_178 : vector<8x1xf32>
    %swap3A_180 = arith.constant 0 : index
    %swap3A_181 = arith.constant 0 : index
    %swap3A_182 = vector.load %arg19[%swap3A_180, %swap3A_181] : memref<8x1xf32, #tpu.memory_space<vmem>>, vector<8x1xf32>
    tpu.vector_store %arg19[%swap3A_180, %swap3A_181], %div3A_179 {strides = array<i32>} : memref<8x1xf32, #tpu.memory_space<vmem>>, vector<8x1xf32>,
    return
  }
  func.func @transform_0(%arg0: i32) -> (i32, i32, i32) {
    %c0_i32 = arith.constant 0 : i32
    %c0_i32_0 = arith.constant 0 : i32
    %c0_i32_1 = arith.constant 0 : i32
    return %arg0, %c0_i32, %c0_i32_0 : i32, i32, i32
  }
  func.func @transform_1(%arg0: i32) -> (i32, i32, i32) {
    %c0_i32 = arith.constant 0 : i32
    %c0_i32_0 = arith.constant 0 : i32
    %c0_i32_1 = arith.constant 0 : i32
    return %arg0, %c0_i32, %c0_i32_0 : i32, i32, i32
  }
  func.func @transform_2(%arg0: i32) -> (i32, i32) {
    %c0_i32 = arith.constant 0 : i32
    %c0_i32_0 = arith.constant 0 : i32
    %c0_i32_1 = arith.constant 0 : i32
    return %c0_i32, %c0_i32_0 : i32, i32
  }
  func.func @transform_3(%arg0: i32) -> (i32, i32) {
    %c0_i32 = arith.constant 0 : i32
    %c0_i32_0 = arith.constant 0 : i32
    %c0_i32_1 = arith.constant 0 : i32
    return %c0_i32, %c0_i32_0 : i32, i32
  }
  func.func @transform_4(%arg0: i32) -> (i32, i32) {
    %c0_i32 = arith.constant 0 : i32
    %c0_i32_0 = arith.constant 0 : i32
    %c0_i32_1 = arith.constant 0 : i32
    return %c0_i32, %c0_i32_0 : i32, i32
  }
  func.func @transform_5(%arg0: i32) -> (i32, i32) {
    %c0_i32 = arith.constant 0 : i32
    %c0_i32_0 = arith.constant 0 : i32
    %c0_i32_1 = arith.constant 0 : i32
    return %c0_i32, %c0_i32_0 : i32, i32
  }
  func.func @transform_6(%arg0: i32) -> (i32, i32) {
    %c0_i32 = arith.constant 0 : i32
    %c0_i32_0 = arith.constant 0 : i32
    %c0_i32_1 = arith.constant 0 : i32
    return %c0_i32, %c0_i32_0 : i32, i32
  }
  func.func @transform_7(%arg0: i32) -> (i32, i32) {
    %c0_i32 = arith.constant 0 : i32
    %c0_i32_0 = arith.constant 0 : i32
    %c0_i32_1 = arith.constant 0 : i32
    return %c0_i32, %c0_i32_0 : i32, i32
  }
  func.func @transform_8(%arg0: i32) -> (i32, i32) {
    %c0_i32 = arith.constant 0 : i32
    %c0_i32_0 = arith.constant 0 : i32
    %c0_i32_1 = arith.constant 0 : i32
    return %c0_i32, %c0_i32_0 : i32, i32
  }
  func.func @transform_9(%arg0: i32) -> (i32, i32) {
    %c0_i32 = arith.constant 0 : i32
    %c0_i32_0 = arith.constant 0 : i32
    %c0_i32_1 = arith.constant 0 : i32
    return %c0_i32, %c0_i32_0 : i32, i32
  }
  func.func @transform_10(%arg0: i32) -> (i32, i32) {
    %c0_i32 = arith.constant 0 : i32
    %c0_i32_0 = arith.constant 0 : i32
    %c0_i32_1 = arith.constant 0 : i32
    return %c0_i32, %c0_i32_0 : i32, i32
  }
  func.func @transform_11(%arg0: i32) -> (i32, i32) {
    %c0_i32 = arith.constant 0 : i32
    %c0_i32_0 = arith.constant 0 : i32
    %c0_i32_1 = arith.constant 0 : i32
    return %c0_i32, %c0_i32_0 : i32, i32
  }
  func.func @transform_12(%arg0: i32) -> (i32, i32) {
    %c0_i32 = arith.constant 0 : i32
    %c0_i32_0 = arith.constant 0 : i32
    %c0_i32_1 = arith.constant 0 : i32
    return %c0_i32, %c0_i32_0 : i32, i32
  }
  func.func @transform_13(%arg0: i32) -> (i32, i32) {
    %c0_i32 = arith.constant 0 : i32
    %c0_i32_0 = arith.constant 0 : i32
    %c0_i32_1 = arith.constant 0 : i32
    return %c0_i32, %c0_i32_0 : i32, i32
  }
  func.func @transform_14(%arg0: i32) -> (i32, i32) {
    %c0_i32 = arith.constant 0 : i32
    %c0_i32_0 = arith.constant 0 : i32
    %c0_i32_1 = arith.constant 0 : i32
    return %c0_i32, %c0_i32_0 : i32, i32
  }
  func.func @transform_15(%arg0: i32) -> (i32, i32) {
    %c0_i32 = arith.constant 0 : i32
    %c0_i32_0 = arith.constant 0 : i32
    %c0_i32_1 = arith.constant 0 : i32
    return %c0_i32, %c0_i32_0 : i32, i32
  }
  func.func @transform_16(%arg0: i32) -> (i32, i32) {
    %c0_i32 = arith.constant 0 : i32
    %c0_i32_0 = arith.constant 0 : i32
    %c0_i32_1 = arith.constant 0 : i32
    return %c0_i32, %c0_i32_0 : i32, i32
  }
  func.func @transform_17(%arg0: i32) -> (i32, i32, i32) {
    %c0_i32 = arith.constant 0 : i32
    %c0_i32_0 = arith.constant 0 : i32
    %c0_i32_1 = arith.constant 0 : i32
    return %arg0, %c0_i32, %c0_i32_0 : i32, i32, i32
  }
  func.func @transform_18(%arg0: i32) -> (i32, i32) {
    %c0_i32 = arith.constant 0 : i32
    %c0_i32_0 = arith.constant 0 : i32
    return %arg0, %c0_i32 : i32, i32
  }
}

</mosaic_0001>

<sc_bundles>
// kernel: scatter_offload_async_start
scs
__scs_entry_jumppad:
0x0: {  	(pc) =	sbr.rel $0x88, $3  }
0x1: {  	(tag) =	ssettag $0x0;
	lr =	simm.s32 $0x1  }
0x2: {  	[smem:$0x3F90] =	sst lr;
	_ =	strace $0xD0000000  }
0x3: {  	_ = 	snop  }
0x4: {  	_ = 	snop  }
0x5: {  	_ = 	snop  }
0x6: {  	_ = 	snop  }
0x7: {  	_ = 	snop  }
__scs_overlays_trampoline_lowered:
0x8: {  	[smem:$0x3F9F] =	sst s0  }
0x9: {  	[smem:$0x3FA0] =	sst s1  }
0xa: {  	[smem:$0x3FA1] =	sst s2  }
0xb: {  	[smem:$0x3FA2] =	sst s3  }
0xc: {  	[smem:$0x3FA3] =	sst s4  }
0xd: {  	[smem:$0x3FA4] =	sst s5  }
0xe: {  	[smem:$0x3FA5] =	sst s6  }
0xf: {  	[smem:$0x3FA6] =	sst s7  }
0x10: {  	[smem:$0x3FA7] =	sst s8  }
0x11: {  	[smem:$0x3FA8] =	sst s9;
	s0 =	simm.s32 @!p0 $0x0  }
0x12: {  	s1 =	sld [smem:$0x3F8E];
	s0 =	simm.s32 @p0 $0x1  }
0x13: {  	[smem:$0x3FA9] =	sst s0;
	s0 =	simm.s32 @!p1 $0x0  }
0x14: {  	s2 =	sld [smem:$0x3F8D];
	s0 =	simm.s32 @p1 $0x1  }
0x15: {  	[smem:$0x3FAA] =	sst s0;
	s0 =	simm.s32 @!p2 $0x0  }
0x16: {  	s3 =	sld [smem:$0x3FDB];
	s0 =	simm.s32 @p2 $0x1  }
0x17: {  	s4 =	simm.s32 $0x1BF5;
	[smem:$0x3FAC] =	sst s0  }
0x18: {  	s0 =	sld [smem:$0x3F8F];
	_ =	swait.ge [sflag:s4], $0x0  }
0x19: {  	s7 =	sld [smem:$0x3F90]  }
0x1a: {  	s8 =	sadd.s32 $0xFFFFE003, lr  }
0x1b: {  	s9 =	sadd.s32 $0xFFFFFEF7, lr;
	s5 =	simm.s32 $0xFFFFFFFF;
	p2 =	slt.u32 s8, $0xFFFFF086  }
0x1c: {  	p1 =	slt.u32 s9, $0xF7A;
	s5 =	simm.s32 @!p2 $0x0  }
0x1d: {  	s5 =	simm.s32 @p1 $0x1;
	p0 =	seq.s32 s7, s2  }
0x1e: {  	s7 =	smul.u32 @!p0 $0xF7A, s2;
	p2 =	seq.s32 @!p0 s5, $0x0  }
0x1f: {  	s9 =	smul.u32 $0xF7A, s1;
	s8 =	simm.s32 @!p0 $0x1BF5;
	p2 =	por !p2, p0  }
0x20: {  	[sflag:s8] =	ssyncset.s32 @!p0 $0xFFFFF086;
	s6 =	sadd.s32 @!p0 s3, s7;
	s7 =	simm.s32 @!p0 $0x108  }
0x21: {  	s3 =	sadd.s32 s3, s9;
	s6 =	sadd.s32 @!p0 $0x88, s6;
	s7 =	simm.s32 @p2 $0x1082  }
0x22: {  	[simem:s7], [sflag:s8] =	dma.local @!p0 [hbm:s6], $0xF7A  }
0x23: {  	s9 =	sor.u32 $0xD0000000, s2;
	s6 =	simm.s32 $0x108;
	_ =	swait.ge @!p0 [sflag:s8], $0x0  }
0x24: {  	s3 =	sadd.s32 $0x88, s3;
	s6 =	simm.s32 @!p1 $0x1082;
	[sflag:s4] =	ssyncset.s32 $0xFFFFF086  }
0x25: {  	[simem:s6], [sflag:s4] =	dma.local [hbm:s3], $0xF7A  }
0x26: {  	[smem:$0x3F90] =	sst s1;
	(tag) =	ssettag s2;
	_ =	strace s9  }
0x27: {  	s1 =	sld [smem:$0x3FA0]  }
0x28: {  	s2 =	sld [smem:$0x3FA1]  }
0x29: {  	s4 =	sld [smem:$0x3FA3]  }
0x2a: {  	p0 =	seq.s32 s5, $0x0;
	s5 =	sld [smem:$0x3FA4]  }
0x2b: {  	s6 =	sld [smem:$0x3FA5]  }
0x2c: {  	s7 =	sld [smem:$0x3FA6]  }
0x2d: {  	s3 =	simm.s32 $0x108;
	s8 =	sld [smem:$0x3FA7]  }
0x2e: {  	s3 =	simm.s32 @!p0 $0x1082;
	s9 =	sld [smem:$0x3FA8]  }
0x2f: {  	lr =	sadd.s32 s0, s3;
	s0 =	sld [smem:$0x3F9F]  }
0x30: {  	s3 =	sld [smem:$0x3FA2]  }
0x31: {  	[smem:$0x3FAB] =	sst s10  }
0x32: {  	s10 =	sld [smem:$0x3FA9];
	_ =	sdelay $0x3  }
0x33: {  	p0 =	seq.s32 s10, $0x1;
	s10 =	sld [smem:$0x3FAB];
	_ =	sdelay $0x3  }
0x34: {  	[smem:$0x3FAB] =	sst s10  }
0x35: {  	s10 =	sld [smem:$0x3FAA];
	_ =	sdelay $0x3  }
0x36: {  	p1 =	seq.s32 s10, $0x1;
	s10 =	sld [smem:$0x3FAB];
	_ =	sdelay $0x3  }
0x37: {  	[smem:$0x3FAB] =	sst s10  }
0x38: {  	s10 =	sld [smem:$0x3FAC]  }
0x39: {  	_ = 	snop;
	(pc) =	sbr.ind lr, $3  }
0x3a: {  	_ = 	snop  }
0x3b: {  	_ = 	snop  }
0x3c: {  	p2 =	seq.s32 s10, $0x1;
	s10 =	sld [smem:$0x3FAB]  }
0x3d: {  	_ =	shalt  }
0x3e: {  	_ =	shalt  }
0x3f: {  	_ =	shalt  }
0x40: {  	_ =	shalt  }
0x41: {  	_ =	shalt  }
0x42: {  	_ =	shalt  }
0x43: {  	_ =	shalt  }
0x44: {  	_ =	shalt  }
0x45: {  	_ =	shalt  }
0x46: {  	_ =	shalt  }
0x47: {  	_ =	shalt  }
0x48: {  	_ =	shalt  }
0x49: {  	_ =	shalt  }
0x4a: {  	_ =	shalt  }
0x4b: {  	_ =	shalt  }
0x4c: {  	_ =	shalt  }
0x4d: {  	_ =	shalt  }
0x4e: {  	_ =	shalt  }
0x4f: {  	_ =	shalt  }
0x50: {  	_ =	shalt  }
0x51: {  	_ =	shalt  }
0x52: {  	_ =	shalt  }
0x53: {  	_ =	shalt  }
0x54: {  	_ =	shalt  }
0x55: {  	_ =	shalt  }
0x56: {  	_ =	shalt  }
0x57: {  	_ =	shalt  }
0x58: {  	_ =	shalt  }
0x59: {  	_ =	shalt  }
0x5a: {  	_ =	shalt  }
0x5b: {  	_ =	shalt  }
0x5c: {  	_ =	shalt  }
0x5d: {  	_ =	shalt  }
0x5e: {  	_ =	shalt  }
0x5f: {  	_ =	shalt  }
0x60: {  	_ =	shalt  }
0x61: {  	_ =	shalt  }
0x62: {  	_ =	shalt  }
0x63: {  	_ =	shalt  }
0x64: {  	_ =	shalt  }
0x65: {  	_ =	shalt  }
0x66: {  	_ =	shalt  }
0x67: {  	_ =	shalt  }
0x68: {  	_ =	shalt  }
0x69: {  	_ =	shalt  }
0x6a: {  	_ =	shalt  }
0x6b: {  	_ =	shalt  }
0x6c: {  	_ =	shalt  }
0x6d: {  	_ =	shalt  }
0x6e: {  	_ =	shalt  }
0x6f: {  	_ =	shalt  }
0x70: {  	_ =	shalt  }
0x71: {  	_ =	shalt  }
0x72: {  	_ =	shalt  }
0x73: {  	_ =	shalt  }
0x74: {  	_ =	shalt  }
0x75: {  	_ =	shalt  }
0x76: {  	_ =	shalt  }
0x77: {  	_ =	shalt  }
0x78: {  	_ =	shalt  }
0x79: {  	_ =	shalt  }
0x7a: {  	_ =	shalt  }
0x7b: {  	_ =	shalt  }
0x7c: {  	_ =	shalt  }
0x7d: {  	_ =	shalt  }
0x7e: {  	_ =	shalt  }
0x7f: {  	_ =	shalt  }
0x80: {  	_ =	shalt  }
0x81: {  	_ =	shalt  }
0x82: {  	_ =	shalt  }
0x83: {  	_ =	shalt  }
0x84: {  	_ =	shalt  }
0x85: {  	_ =	shalt  }
0x86: {  	_ =	shalt  }
0x87: {  	_ =	shalt  }
.Lfunc_end0:
.L_simem_size_0:
called_computation_lowered:
.L_overlay_start_0:
0x88: {  	s0 =	sld [smem:$0x3FD9]  }
0x89: {  	s1 =	sld [smem:$0x3FFE];
	_ =	sdelay $0x3  }
0x8a: {  	s0 =	sadd.s32 s1, s0  }
0x8b: {  	[smem:$0x3FB7] =	sst s0  }
0x8c: {  	_ = 	snop  }
0x8d: {  	s0 =	sld [smem:$0x3FD0];
	_ =	sdelay $0x2  }
0x8e: {  	s13 =	simm.s32 $0xA;
	s2 =	simm.s32 $0x10  }
0x8f: {  	[smem:s2], [sflag:s13] =	dma.local [hbm:s0], $0x1  }
0x90: {  	_ =	swait.eq [sflag:s13], $0x1  }
0x91: {  	[sflag:s13] =	ssyncset.done $0x0  }
0x92: {  	s14 =	sld [smem:$0x10];
	[sflag:s13] =	ssyncadd.s32 $0xFFFFFFFF  }
0x93: {  	s15 =	sld [smem:$0x11];
	(tm) =	ssettm $0x1  }
0x94: {  	s16 =	sld [smem:$0x3FFB];
	_ =	sdelay $0x3  }
0x95: {  	_ =	strace s16  }
0x96: {  	s2 =	sld [smem:$0x3FFC];
	_ =	sdelay $0x3  }
0x97: {  	_ =	strace s2  }
0x98: {  	s2 =	sld [smem:$0x3FFD];
	_ =	sdelay $0x3  }
0x99: {  	_ =	strace s2  }
0x9a: {  	_ =	strace $0x8FFFFFFF  }
0x9b: {  	s17 =	sld [smem:$0x3FDB];
	_ =	sdelay $0x1  }
0x9c: {  	s3 =	simm.s32 $_scs_section_size  }
0x9d: {  	s4 =	simm.s32 $_size__tile_overlayer_lowered;
	s5 =	simm.s32 $_tile_overlayer_lowered  }
0x9e: {  	s20 =	simm.s32 $0x1BFF;
	s19 =	sshll.u32 s5, $0x1;
	s2 =	sadd.s32 s3, s17  }
0x9f: {  	s6 =	simm.s32 $0x0;
	s18 =	sshll.u32 s4, $0x1;
	s4 =	sadd.s32 s19, s2  }
0xa0: {  	[timem:s6], [sflag:s20] =	dma.local [hbm:s4], s18  }
0xa1: {  	_ =	swait.ge [sflag:s20], s18  }
0xa2: {  	s3 =	ssub.s32 $0x0, s18;
	[sflag:s20] =	ssyncset.done $0x0  }
0xa3: {  	[sflag:s20] =	ssyncadd.s32 s3;
	_ =	sdelay $0x1  }
0xa4: {  	s21 =	simm.s32 $0x1B8B  }
0xa5: {  	_ =	swait.ge [sflag:s21], $0x1  }
0xa6: {  	[sflag:s21] =	ssyncset.done $0x0  }
0xa7: {  	s23 =	simm.s32 $0x1B8E;
	s22 =	sld [smem:$0x3FFE];
	[sflag:s21] =	ssyncadd.s32 $0xFFFFFFFF  }
0xa8: {  	s24 =	simm.s32 $execute0_lowered;
	[smem:$0x3FD2] =	sst s23  }
0xa9: {  	s4 =	sshll.u32 s24, $0x1;
	_ =	strace $0x80000046;
	[dreg:$0x1] =	wrdreg $0xFFFFFFFF  }
0xaa: {  	s25 =	simm.s32 $_size_execute0_lowered;
	s2 =	sadd.s32 s2, s4;
	[dreg:$0x0] =	wrdreg $0x0  }
0xab: {  	s4 =	sshll.u32 s25, $0x1;
	[dreg:$0x2] =	wrdreg s2  }
0xac: {  	[dreg:$0x3] =	wrdreg s4  }
0xad: {  	[dreg:$0x4] =	wrdreg $0xC0  }
0xae: {  	_ =	task [dreg:s6], $0x5FFFF  }
0xaf: {  	[dreg:$0x1] =	wrdreg $0xFFFFFFFF  }
0xb0: {  	[dreg:$0x0] =	wrdreg $0x60  }
0xb1: {  	[dreg:$0x2] =	wrdreg s15  }
0xb2: {  	[dreg:$0x3] =	wrdreg s14  }
0xb3: {  	[dreg:$0x4] =	wrdreg s22  }
0xb4: {  	[dreg:$0x5] =	wrdreg $0x9  }
0xb5: {  	_ =	task.clear_ibuf [dreg:s6], $0x6FFFF;
	_ =	strace $0x90000046  }
0xb6: {  	s26 =	simm.s32 $0x9;
	_ =	strace $0x80000048  }
0xb7: {  	_ =	swait.ge [sflag:s26], $0x1  }
0xb8: {  	[sflag:s26] =	ssyncadd.s32 $0xFFFFFFFF  }
0xb9: {  	_ =	strace $0x90000048  }
0xba: {  	_ =	sfence  }
0xbb: {  	s28 =	sld [smem:$0x0];
	_ =	sdelay $0x1  }
0xbc: {  	s29 =	srdreg.scid  }
0xbd: {  	s30 =	sshll.u32 s29, $0xD;
	s31 =	sshrl.u32 s29, $0x2  }
0xbe: {  	s1 =	sand.u32 $0x1, s29;
	s2 =	sand.u32 $0x4000, s30;
	s0 =	sadd.s32 s31, s28  }
0xbf: {  	s1 =	sor.u32 s2, s1;
	s0 =	sshll.u32 s0, $0x11  }
0xc0: {  	s0 =	sor.u32 s0, s1  }
0xc1: {  	s0 =	sadd.s32 $0x8F2B, s0  }
0xc2: {  	[sflag:s0] =	ssyncadd.remote.s32 $0x1  }
0xc3: {  	_ =	sfence.sel $0xFFFF  }
0xc4: {  	[dreg:$0x0] =	wrdreg $0xFFFFFFFF;
	(pc) =	sbr.abs _section_cstart, $3  }
0xc5: {  	[dreg:$0x1] =	wrdreg $0xFFFFFFFF  }
0xc6: {  	_ =	task.clear_ibuf [dreg:s6], $0x2FFFF;
	_ =	strace $0x9FFFFFFF  }
0xc7: {  	(tm) =	ssettm $0x7FFFFFFF  }
tec
execute0_lowered:
.L_overlay_start_1:
0x0: {  	(tag) =	ssettag $0x1  }
0x1: {  	s1 =	rddreg [dreg:$0x0]  }
0x2: {  	s0 =	rddreg [dreg:$0x2];
	_ =	strace $0x80000047;
	s4 =	simm.s32 $0x1  }
0x3: {  	v1 =	vimm.s32 $0xFFFFFFFF;
	[sflag:s4] =	ssyncpa.u1 $0x0  }
0x4: {  	[tilespmem:$0x10] =	vst v1  }
0x5: {  	v0 =	vimm.f32 $0.0e+00;
	[tilespmem:$0x20] =	vst v1  }
0x6: {  	[tilespmem:$0x30] =	vst v0  }
0x7: {  	s2 =	simm.s32 $0x2;
	s26 =	stileid.u32;
	[tilespmem:$0x40] =	vst v0  }
0x8: {  	s5 =	simm.s32 $0x7;
	s7 =	simm.s32 $0x8;
	s31 =	simm.s32 $0x9;
	[tilespmem:$0x50] =	vst v0  }
0x9: {  	s14 =	simm.s32 $0x0;
	s15 =	simm.s32 $0x100;
	s17 =	simm.s32 $0x55F;
	[tilespmem:$0x60] =	vst v1  }
0xa: {  	s18 =	simm.s32 $0x10;
	s19 =	simm.s32 $0x2860;
	s20 =	simm.s32 $0xF;
	[tilespmem:$0x70] =	vst v1  }
0xb: {  	s21 =	simm.s32 $0x50;
	s22 =	simm.s32 $0x127F;
	s23 =	simm.s32 $0x20;
	[tilespmem:$0x80] =	vst v1  }
0xc: {  	s24 =	simm.s32 $0x30;
	s25 =	simm.s32 $0x23FF;
	s6 =	smul.u32 $0x460, s26;
	v1 =	vimm.s32 $0x0;
	[tilespmem:$0xB0] =	vst v0  }
.Ltmp0:
0xd: {  	s30 =	simm.s32 $0x0;
	s29 =	simm.s32 $0x0;
	[tilespmem:$0x90] =	vst v1;
	(pc) =	sbr.rel .LBB2_1-.Ltmp0, $4  }
0xe: {  	s8 =	sadd.s32 $0x400, s0;
	s10 =	sshll.u32 s26, $0x1;
	[tilespmem:$0xA0] =	vst v1;
	[sflag:s2] =	ssyncpa.u1 $0x0  }
0xf: {  	s12 =	sshllo.u32 s26, $0x1;
	s26 =	simm.s32 $0x80;
	[sflag:s5] =	ssyncpa.u1 $0x0  }
0x10: {  	vm0 =	vmmov $0xffff;
	v2 =	vlaneseq.u32;
	s11 =	sor.u32 $0x81, s10;
	s13 =	sor.u32 $0x80, s10;
	[sflag:s7] =	ssyncpa.u1 $0x0  }
0x11: {  	vm1 =	vmxor vm1, vm1;
	vm2 =	vmmov $0x1;
	vm3 =	vcmask $0x3F3C;
	s9 =	sadd.s32 $0x460, s6;
	s28 =	smov.u32 s6;
	[sflag:s31] =	ssyncpa.u1 $0x0  }
.LBB2_3:
0x12: {  	s0 =	sshrl.u32 s28, $0x3;
	s2 =	rddreg [dreg:$0x1]  }
0x13: {  	s31 =	sand.u32 $0x7, s28;
	s0 =	sadd.s32 s2, s0  }
0x14: {  	[tilespmem:s15], [sflag:$0x7] =	stream.linear.gather [hbm4b:s0+s31], $0x460, $0x38;
	[tilespmem:$0x2880] =	vst v63  }
.LBB2_4:
0x15: {  	s0 =	sadd.s32 $0x460, s28  }
0x16: {  	s2 =	smov.u32 s6;
	s29 =	sadd.s32 $0x1, s29;
	p0 =	slt.s32 s0, s9  }
0x17: {  	s2 =	smov.u32 @p0 s0;
	p0 =	sne.s32 s29, $0x4  }
.Ltmp1:
0x18: {  	_ = 	snop;
	(pc) =	sbr.rel @!p0 .LBB2_13-.Ltmp1, $2  }
0x19: {  	_ =	sdelay $0x2  }
0x1a: {  	s30 =	smov.u32 s28;
	s28 =	smov.u32 s2  }
.LBB2_1:
0x1b: {  	p0 =	sgt.s32 s29, $0x1  }
.Ltmp2:
0x1c: {  	_ = 	snop;
	(pc) =	sbr.rel @p0 .LBB2_11-.Ltmp2, $1  }
0x1d: {  	_ =	sdelay $0x3  }
0x1e: {  	p0 =	seq.s32 s29, $0x0  }
.Ltmp3:
0x1f: {  	_ = 	snop;
	(pc) =	sbr.rel @p0 .LBB2_3-.Ltmp3, $1  }
0x20: {  	_ =	sdelay $0x3  }
0x21: {  	_ =	swait.ge [sflag:s5], $0x460  }
0x22: {  	[sflag:s5] =	ssyncset.done $0x0  }
0x23: {  	[sflag:s5] =	ssyncadd.s32 $0xFFFFFBA0;
	(ifvalue) =	ssetifvalue $0xFFFFFFFF;
	v3 =	vld.msk [tilespmem:s15+$0x0 ss:$0x1], $0xffff;
	_ =	sdelay $0x4  }
0x24: {  	v4 =	vperm.xlane v3, v1  }
0x25: {  	vm4 =	vlt.u32 v3, $0x100  }
0x26: {  	v3 =	vnsel vm4, $0xFFFFFFFE, v3;
	vm4 =	vlt.u32 v4, $0x100  }
0x27: {  	[tilespmem:$0x70] =	vst v3;
	v3 =	vnsel vm4, $0xFFFFFFFE, v4  }
0x28: {  	s16 =	simm.s32 $0x550;
	[tilespmem:$0x80] =	vst v3  }
0x29: {  	v3 =	vld.msk [tilespmem:s16+$0x0 ss:$0x1], $0xffff;
	_ =	sdelay $0x4  }
0x2a: {  	(xrf1) =	vunique.msk.u32 $0xffff, v3;
	_ =	sdelay $0xd  }
0x2b: {  	v4 =	vimm.s32 $0xFFFFFFFF;
	v5, _, _ =	vpop (xrf1)  }
0x2c: {  	vm5 =	vne.s32 v3, v4;
	vm4 =	veq.s32 v5, v2  }
0x2d: {  	vm6 =	vlt.u32 v3, $0x100;
	vm4 =	vmand vm5, vm4  }
0x2e: {  	vm4 =	vmand vm6, vm4  }
0x2f: {  	v4 =	vnsel vm4, $0xFFFFFFFF, v3;
	_ =	sdelay $0x3  }
0x30: {  	s0 =	simm.s32 $0x1270;
	(ifvalue) =	ssetifvalue $0xFFFFFFFF  }
0x31: {  	v3 =	vperm.xlane v3, v1;
	[tilespmem:s0], [sflag:$0x8] =	stream.indirect_vreg.gather [hbm4b:s1+s14], $0x1, v4, vm0, $0x4038;
	v4 =	vnsel vm6, $0xFFFFFFFE, v4;
	[tilespmem:$0x2880] =	vst v63  }
0x32: {  	s2 =	simm.s32 $0x0;
	s3 =	simm.s32 $0x540;
	[tilespmem:s16+$0x0] =	vst v4  }
.LBB2_6:
0x33: {  	v4 =	vld.msk [tilespmem:s3+$0x0 ss:$0x1], $0xffff;
	s2 =	sadd.s32 $0x10, s2;
	v5 =	vmov v3;
	s16 =	smov.u32 s3  }
0x34: {  	p0 =	slt.u32 s2, $0x450;
	_ =	sdelay $0x4  }
0x35: {  	v3 =	vperm.xlane v4, v1;
	(xrf1) =	vunique.msk.u32 $0xffff, v4;
	_ =	sdelay $0xd  }
0x36: {  	v6, _, _ =	vpop (xrf1)  }
0x37: {  	vm5 =	vne.s32 v4, v5;
	vm4 =	veq.s32 v6, v2  }
0x38: {  	vm6 =	vlt.u32 v4, $0x100;
	vm4 =	vmand vm5, vm4  }
0x39: {  	vm4 =	vmand vm6, vm4  }
0x3a: {  	v4 =	vnsel vm4, $0xFFFFFFFF, v4  }
.Ltmp4:
0x3b: {  	v5 =	vnsel vm6, $0xFFFFFFFE, v4;
	(pc) =	sbr.rel @p0 .LBB2_6-.Ltmp4, $3  }
0x3c: {  	_ =	sdelay $0x1  }
0x3d: {  	s3 =	sadd.s32 $0xFFFFFFF0, s3;
	s0 =	sadd.s32 $0xFFFFFFF0, s0;
	(ifvalue) =	ssetifvalue $0xFFFFFFFF  }
0x3e: {  	[tilespmem:s0], [sflag:$0x8] =	stream.indirect_vreg.gather [hbm4b:s1+s14], $0x1, v4, vm0, $0x4038;
	[tilespmem:s16+$0x0] =	vst v5  }
.Ltmp5:
0x3f: {  	(pc) =	sbr.rel .LBB2_4-.Ltmp5, $4  }
0x40: {  	_ = 	snop  }
0x41: {  	s0 =	sshrl.u32 s30, $0x3  }
0x42: {  	s2 =	simm.s32 $0x16E0;
	s0 =	sadd.s32 s8, s0  }
0x43: {  	[tilespmem:s2], [sflag:$0x8] =	stream.linear.gather [hbm:s0], $0x460, $0x38;
	[tilespmem:$0x2880] =	vst v63  }
.LBB2_11:
0x44: {  	p0 =	seq.s32 s29, $0x2  }
.Ltmp6:
0x45: {  	_ = 	snop;
	(pc) =	sbr.rel @!p0 .LBB2_12-.Ltmp6, $1  }
0x46: {  	_ =	sdelay $0x3  }
0x47: {  	_ =	swait.ge [sflag:s7], $0x8C0  }
0x48: {  	[sflag:s7] =	ssyncset.done $0x0  }
0x49: {  	[sflag:s7] =	ssyncadd.s32 $0xFFFFF740  }
0x4a: {  	[spmem:s11] =	stream.linear.scatter [tilespmem:s17], [sflag:$0x1], $0x1, $0x38;
	[tilespmem:$0x2880] =	vst v63  }
0x4b: {  	_ =	swait.ge [sflag:s4], $0x1  }
0x4c: {  	[sflag:s4] =	ssyncset.done $0x0  }
0x4d: {  	[sflag:s4] =	ssyncadd.s32 $0xFFFFFFFF  }
0x4e: {  	v4 =	vld [tilespmem:$0x10]  }
0x4f: {  	v5 =	vld [tilespmem:$0x70]  }
0x50: {  	v3 =	vld [tilespmem:$0x80];
	_ =	sdelay $0x2  }
0x51: {  	(v2sf) =	vpush v4, $0x0  }
0x52: {  	(v2sf) =	vpush v5, $0x0  }
0x53: {  	(v2sf) =	vpush v3, $0x0;
	_ =	sdelay $0xc  }
0x54: {  	s0 =	spop (v2sf)  }
0x55: {  	s2 =	spop (v2sf)  }
0x56: {  	s30 =	spop (v2sf)  }
0x57: {  	p0 =	seq.s32 s0, s2;
	p1 =	seq.s32 s30, s0  }
0x58: {  	p1 =	por p0, p1  }
0x59: {  	v4 =	vpsel p1, $0xFFFFFFFF, v4  }
0x5a: {  	[tilespmem:s18+$0x0] =	vst.msk $0x1, v4  }
0x5b: {  	v4 =	vld [tilespmem:$0x30]  }
0x5c: {  	v5 =	vld [tilespmem:$0x16E0]  }
0x5d: {  	v6 =	vld [tilespmem:$0x40];
	_ =	sdelay $0x3  }
0x5e: {  	vm4 =	vmmov vm1;
	v5 =	vadd.f32 v5, v4  }
0x5f: {  	vm5 =	vmmov vm2;
	s31 =	simm.s32 $0x16E0;
	vm4 =	vmmov @p0 vm2;
	v4 =	vadd.f32 v6, v4  }
0x60: {  	vm5 =	vmmov @p1 vm1;
	[tilespmem:s31+$0x0] =	vst.msk vm4, v5  }
0x61: {  	[tilespmem:s19+$0x0] =	vst.msk vm5, v4  }
0x62: {  	v4 =	vld [tilespmem:$0x1270];
	_ =	sdelay $0x3  }
0x63: {  	v5 =	vimm.f32 $0.0e+00  }
0x64: {  	v4 =	vshift.insert v4, v5, s20;
	_ =	sdelay $0x1  }
0x65: {  	[tilespmem:s21+$0x0] =	vst.msk $0x1, v4  }
0x66: {  	[tilespmem:s22+$0x0] =	vst.msk $0x1, v5  }
0x67: {  	v4 =	vld [tilespmem:$0x550];
	_ =	sdelay $0x4  }
0x68: {  	v4 =	vshift.insert v4, v1, s20;
	_ =	sdelay $0x1  }
0x69: {  	[tilespmem:s23+$0x0] =	vst.msk $0x1, v4  }
0x6a: {  	s16 =	simm.s32 $0x100;
	v6 =	vld [tilespmem:s31+$0x0]  }
0x6b: {  	v7 =	vld [tilespmem:s16+$0x0];
	_ =	sdelay $0x3  }
0x6c: {  	v5 =	vadd.f32 v6, v5  }
0x6d: {  	vm4 =	vne.s32 v7, $0xFFFFFFFF  }
0x6e: {  	(xrf2) =	vadd.seg.scan.f32 vm4, v5;
	_ =	sdelay $0x3  }
0x6f: {  	s0 =	simm.s32 $0xE20;
	v5 =	vperm.xlane v4, v1  }
0x70: {  	v6 =	vld [tilespmem:s0+$0x0]  }
0x71: {  	vm5 =	veq.s32 v7, v3;
	vm6 =	veq.s32 v7, v5  }
0x72: {  	vm7 =	vgt.u32 v7, $0xFFFFFFFD;
	vm6 =	vmor vm6, vm5  }
0x73: {  	vm6 =	vmor vm6, vm7  }
0x74: {  	v9 =	vld [tilespmem:$0xA0];
	v7 =	vsel vm6, $0xFFFFFFFF, v7  }
0x75: {  	v10 =	vld [tilespmem:$0x90];
	v6 =	vsel vm5, $0x0, v6;
	v8, _, _ =	vpop (xrf2)  }
0x76: {  	v6 =	vadd.f32 v8, v6  }
0x77: {  	s2 =	simm.s32 $0x1FA0  }
0x78: {  	vm4 =	vmand vm4, vm3;
	[tilespmem:s2+$0x0] =	vst v6;
	(ifvalue) =	ssetifvalue $0xFFFFFFFF  }
0x79: {  	vm6 =	veq.s32 v9, $0x1;
	[hbm4b:s1+s14] =	stream.indirect_vreg.scatter [tilespmem:s2], [sflag:$0x2], $0x1, v7, vm0, $0x4038;
	v7 =	vsel vm4, $0x0, v8;
	[tilespmem:$0x2880] =	vst v63  }
0x7a: {  	s3 =	simm.s32 $0x0;
	s16 =	simm.s32 $0x110;
	vm4 =	vmor vm6, vm5;
	v6 =	vsel vm5, v8, v10;
	v7 =	vshift.insert v7, v0, s20  }
.LBB2_9:
0x7b: {  	v8 =	vld [tilespmem:s16+$0x0];
	s31 =	sadd.s32 $0x10, s31  }
0x7c: {  	s0 =	sadd.s32 $0x10, s0;
	v9 =	vld [tilespmem:s31+$0x0]  }
0x7d: {  	s3 =	sadd.s32 $0x10, s3;
	v10 =	vld [tilespmem:s0+$0x0]  }
0x7e: {  	p0 =	slt.u32 s3, $0x450;
	_ =	sdelay $0x2  }
0x7f: {  	v7 =	vadd.f32 v9, v7  }
0x80: {  	vm5 =	vne.s32 v8, $0xFFFFFFFF  }
0x81: {  	vm6 =	vmand vm5, vm3;
	(xrf2) =	vadd.seg.scan.f32 vm5, v7;
	_ =	sdelay $0x5  }
0x82: {  	vm7 =	veq.s32 v8, v5;
	vm5 =	veq.s32 v8, v3  }
0x83: {  	vm8 =	vgt.u32 v8, $0xFFFFFFFD;
	vm4 =	vmor vm4, vm5;
	vm7 =	vmor vm7, vm5  }
0x84: {  	vm7 =	vmor vm7, vm8  }
0x85: {  	v8 =	vsel vm7, $0xFFFFFFFF, v8  }
.Ltmp7:
0x86: {  	v7 =	vsel vm5, $0x0, v10;
	v9, _, _ =	vpop (xrf2);
	(pc) =	sbr.rel @p0 .LBB2_9-.Ltmp7, $4  }
0x87: {  	v6 =	vsel vm5, v9, v6;
	v10 =	vadd.f32 v9, v7;
	v7 =	vsel vm6, $0x0, v9  }
0x88: {  	s2 =	sadd.s32 $0x10, s2;
	v7 =	vshift.insert v7, v0, s20  }
0x89: {  	s16 =	sadd.s32 $0x10, s16;
	[tilespmem:s2+$0x0] =	vst v10;
	(ifvalue) =	ssetifvalue $0xFFFFFFFF  }
0x8a: {  	[hbm4b:s1+s14] =	stream.indirect_vreg.scatter [tilespmem:s2], [sflag:$0x2], $0x1, v8, vm0, $0x4038;
	[tilespmem:$0x2880] =	vst v63  }
0x8b: {  	v3 =	vld [tilespmem:$0x23F0];
	_ =	sdelay $0x4  }
0x8c: {  	v3 =	vshift.insert v3, v0, s20;
	_ =	sdelay $0x1  }
0x8d: {  	[tilespmem:s24+$0x0] =	vst.msk $0x1, v3  }
0x8e: {  	v3 =	vsel vm4, $0x1, v1;
	[tilespmem:$0x90] =	vst v6  }
0x8f: {  	[tilespmem:$0xA0] =	vst v3  }
0x90: {  	[spmem:s12] =	stream.linear.scatter [tilespmem:s25], [sflag:$0x1], $0x1, $0x38;
	[tilespmem:$0x2880] =	vst v63  }
0x91: {  	v3 =	vmctz.xlane vm4;
	_ =	swait.ge [sflag:s4], $0x1  }
0x92: {  	(v2sf) =	vpush v4, $0x0  }
0x93: {  	(v2sf) =	vpush v3, $0x0;
	_ =	sdelay $0xd  }
0x94: {  	s0 =	spop (v2sf)  }
0x95: {  	s2 =	spop (v2sf)  }
0x96: {  	[sflag:s4] =	ssyncset.done $0x0;
	p0 =	sne.s32 s30, s0;
	p1 =	slt.s32 s2, $0xF  }
0x97: {  	[sflag:s4] =	ssyncadd.s32 $0xFFFFFFFF;
	v3 =	vimm.s32 @!p0 $0xFFFFFFFF;
	s2 =	simm.s32 @!p1 $0xF  }
0x98: {  	[tilespmem:$0x80] =	vst @!p0 v3;
	s31 =	sadd.s32 $0x90, s2  }
0x99: {  	[spmem:s10] =	stream.linear.scatter [tilespmem:s31], [sflag:$0x1], $0x1, $0x38;
	[tilespmem:$0x2880] =	vst v63  }
0x9a: {  	_ =	swait.ge [sflag:s4], $0x1  }
0x9b: {  	[sflag:s4] =	ssyncset.done $0x0  }
0x9c: {  	[sflag:s4] =	ssyncadd.s32 $0xFFFFFFFF  }
0x9d: {  	[spmem:s13] =	stream.linear.scatter [tilespmem:s26], [sflag:$0x1], $0x1, $0x38;
	[tilespmem:$0x2880] =	vst v63  }
0x9e: {  	_ =	swait.ge [sflag:s4], $0x1  }
0x9f: {  	[sflag:s4] =	ssyncset.done $0x0  }
0xa0: {  	[sflag:s4] =	ssyncadd.s32 $0xFFFFFFFF;
	(ifvalue) =	ssetifvalue $0xFFFFFFFF;
	v3 =	vld [tilespmem:$0x10];
	_ =	sdelay $0x3  }
.Ltmp8:
0xa1: {  	_ = 	snop;
	(pc) =	sbr.rel .LBB2_4-.Ltmp8, $3  }
0xa2: {  	_ =	sdelay $0x1  }
0xa3: {  	(ifvalue) =	ssetifvalue $0xFFFFFFFF  }
0xa4: {  	[hbm4b:s1+s14] =	stream.indirect_vreg.scatter [tilespmem:s19], [sflag:$0x9], $0x1, v3, vm0, $0x4038;
	[tilespmem:$0x2880] =	vst v63  }
.LBB2_12:
0xa5: {  	s0 =	simm.s32 $0x2  }
0xa6: {  	_ =	swait.ge [sflag:s0], $0x460  }
0xa7: {  	[sflag:s0] =	ssyncset.done $0x0  }
0xa8: {  	s31 =	simm.s32 $0x9;
	[sflag:s0] =	ssyncadd.s32 $0xFFFFFBA0  }
0xa9: {  	_ =	swait.ge [sflag:s31], $0x10  }
0xaa: {  	[sflag:s31] =	ssyncset.done $0x0  }
0xab: {  	[sflag:s31] =	ssyncadd.s32 $0xFFFFFFF0  }
.LBB2_13:
0xac: {  	_ =	sfence.sel $0x180000  }
0xad: {  	s0 =	simm.s32 $0x7;
	[bflag:$0x0] =	sbarrier.arrive $0xFFFF  }
0xae: {  	s26 =	simm.s32 $0x8;
	[sflag:s0] =	ssyncpa.u1 $0x1  }
0xaf: {  	s28 =	simm.s32 $0x9;
	[sflag:s26] =	ssyncpa.u1 $0x1  }
0xb0: {  	[sflag:s28] =	ssyncpa.u1 $0x1  }
0xb1: {  	_ =	sfence.stream.spmem  }
0xb2: {  	s29 =	simm.s32 $0x3;
	[bflag:$0x0] =	sbarrier.arrive $0xFFFF  }
0xb3: {  	s30 =	simm.s32 $0x4;
	[sflag:s29] =	ssyncpa.u1 $0x1  }
0xb4: {  	s31 =	simm.s32 $0x3C;
	s2 =	stileid.u32;
	[sflag:s30] =	ssyncpa.u1 $0x1  }
0xb5: {  	p0 =	sne.s32 s2, $0x0;
	[sflag:s31] =	ssyncpa.u1 $0x1  }
0xb6: {  	s0 =	simm.s32 @p0 $0x1;
	_ =	sfence @p0  }
0xb7: {  	[sflag:s0] =	ssyncpa.u1 @p0 $0x1;
	s0 =	simm.s32 @p0 $0x2  }
0xb8: {  	[sflag:s0] =	ssyncpa.u1 @p0 $0x1  }
0xb9: {  	_ =	strace @p0 $0x90000047  }
0xba: {  	[bflag:$0x2] =	sbarrier.arrive @p0 $0xFFFF  }
0xbb: {  	_ =	shalt @p0  }
.LBB2_14:
0xbc: {  	_ =	sfence.stream.spmem;
	s0 =	simm.s32 $0x5  }
0xbd: {  	s2 =	simm.s32 $0x80;
	s3 =	simm.s32 $0xC0;
	[sflag:s0] =	ssyncpa.u1 $0x0  }
0xbe: {  	[tilespmem:s3], [sflag:$0x5] =	stream.linear.gather [spmem:s2], $0x20, $0x38;
	[tilespmem:$0x2880] =	vst v63  }
0xbf: {  	s2 =	simm.s32 $0x0;
	s3 =	simm.s32 $0xE0  }
0xc0: {  	[tilespmem:s3], [sflag:$0x5] =	stream.linear.gather [spmem:s2], $0x20, $0x38;
	[tilespmem:$0x2880] =	vst v63  }
.Ltmp9:
0xc1: {  	_ = 	snop;
	(pc) =	sbr.rel .LBB2_15-.Ltmp9, $4  }
0xc2: {  	_ =	swait.ge [sflag:s0], $0x40  }
0xc3: {  	[sflag:s0] =	ssyncset.done $0x0  }
0xc4: {  	s31 =	simm.s32 $0x6;
	[sflag:s0] =	ssyncadd.s32 $0xFFFFFFC0  }
0xc5: {  	s4 =	simm.s32 $0x0;
	[sflag:s31] =	ssyncpa.u1 $0x0  }
.LBB2_20:
0xc6: {  	p0 =	sgt.u32 s0, $0xFF  }
0xc7: {  	s5 =	sshrl.u32 @!p0 s0, $0x3  }
0xc8: {  	s0 =	sand.u32 @!p0 $0x7, s0;
	s6 =	simm.s32 @!p0 $0xB0;
	s5 =	sadd.s32 @!p0 s1, s5  }
0xc9: {  	[tilespmem:s6], [sflag:$0x6] =	stream.linear.gather @!p0 [hbm4b:s5+s0], $0x1, $0x38;
	[tilespmem:$0x2880] =	vst v63  }
0xca: {  	s0 =	simm.s32 @!p0 $0x6  }
0xcb: {  	_ =	swait.ge @!p0 [sflag:s0], $0x1  }
0xcc: {  	[sflag:s0] =	ssyncset.done @!p0 $0x0  }
0xcd: {  	[sflag:s0] =	ssyncadd.s32 @!p0 $0xFFFFFFFF  }
0xce: {  	v2 =	vmov @!p0 s4;
	v1 =	vld.msk @!p0 [tilespmem:$0xB0], $0x1;
	_ =	sdelay $0x3  }
0xcf: {  	s0 =	simm.s32 @!p0 $0xE0  }
0xd0: {  	[tilespmem:v2+s0+$0x0], v1 =	vst.idx.ret.add.f32.msk @!p0 $0x1, v1  }
0xd1: {  	[tilespmem:s2+$0xC0] =	vst.msk $0x1, v0  }
0xd2: {  	v0 =	vld.msk [tilespmem:s4+$0xE0], $0x1;
	_ =	sdelay $0x4  }
0xd3: {  	[tilespmem:s2+$0xE0] =	vst.msk $0x1, v0;
	s2 =	sadd.s32 $0x1, s2  }
.LBB2_22:
0xd4: {  	s4 =	sadd.s32 $0x1, s4  }
0xd5: {  	p0 =	sne.s32 s4, $0x20  }
.Ltmp10:
0xd6: {  	_ = 	snop;
	(pc) =	sbr.rel @!p0 .LBB2_23-.Ltmp10, $1  }
0xd7: {  	_ =	sdelay $0x3  }
.LBB2_15:
0xd8: {  	v0 =	vld.msk [tilespmem:s4+$0xC0], $0x1;
	_ =	sdelay $0x4  }
0xd9: {  	(v2sf) =	vpush v0, $0x0;
	_ =	sdelay $0xe  }
0xda: {  	s0 =	spop (v2sf)  }
0xdb: {  	p0 =	seq.s32 s0, $0xFFFFFFFF  }
.Ltmp11:
0xdc: {  	_ = 	snop;
	(pc) =	sbr.rel @p0 .LBB2_22-.Ltmp11, $1  }
0xdd: {  	_ =	sdelay $0x3  }
0xde: {  	p0 =	slt.s32 s2, $0x1  }
.Ltmp12:
0xdf: {  	_ = 	snop;
	(pc) =	sbr.rel @p0 .LBB2_20-.Ltmp12, $1  }
0xe0: {  	_ =	sdelay $0x3  }
0xe1: {  	s5 =	simm.s32 $0xC0;
	p0 =	por $0x0, $0x0  }
0xe2: {  	v1 =	vld.msk @!p0 [tilespmem:s5+$0x0], $0x1;
	_ =	sdelay $0x4  }
0xe3: {  	(v2sf) =	vpush @!p0 v1, $0x0;
	_ =	sdelay $0xd  }
0xe4: {  	p2 =	sne.s32 s2, $0x1  }
.Ltmp13:
0xe5: {  	s6 =	spop @!p0 (v2sf);
	(pc) =	sbr.rel @!p2 .LBB2_19-.Ltmp13, $4  }
0xe6: {  	p1 =	seq.s32 @!p0 s0, s6  }
0xe7: {  	s6 =	simm.s32 $0x0;
	p1 =	por !p1, p0  }
0xe8: {  	s8 =	simm.s32 $0xFFFFFFFF;
	s6 =	simm.s32 @p1 $0xFFFFFFFF  }
0xe9: {  	s7 =	simm.s32 $0x1;
	s6 =	smov.u32 @p0 s8  }
.LBB2_18:
0xea: {  	s8 =	smov.u32 s6;
	p0 =	sne.s32 s6, $0xFFFFFFFF  }
0xeb: {  	s5 =	sadd.s32 $0x1, s5;
	s6 =	smov.u32 s7;
	s7 =	sadd.s32 $0x1, s7  }
0xec: {  	p1 =	sne.s32 s2, s7;
	v1 =	vld.msk @!p0 [tilespmem:s5+$0x0], $0x1;
	_ =	sdelay $0x4  }
0xed: {  	(v2sf) =	vpush @!p0 v1, $0x0;
	_ =	sdelay $0xe  }
.Ltmp14:
0xee: {  	s9 =	spop @!p0 (v2sf);
	(pc) =	sbr.rel @p1 .LBB2_18-.Ltmp14, $4  }
0xef: {  	p2 =	seq.s32 @!p0 s0, s9  }
0xf0: {  	p2 =	por !p2, p0  }
0xf1: {  	s6 =	simm.s32 @p2 $0xFFFFFFFF  }
0xf2: {  	s6 =	smov.u32 @p0 s8  }
.LBB2_19:
0xf3: {  	p0 =	sne.s32 s6, $0xFFFFFFFF  }
.Ltmp15:
0xf4: {  	_ = 	snop;
	(pc) =	sbr.rel @!p0 .LBB2_20-.Ltmp15, $1  }
0xf5: {  	_ =	sdelay $0x3  }
0xf6: {  	v0 =	vld.msk [tilespmem:s4+$0xE0], $0x1;
	v1 =	vmov s6  }
.Ltmp16:
0xf7: {  	_ = 	snop;
	(pc) =	sbr.rel .LBB2_22-.Ltmp16, $2  }
0xf8: {  	_ =	sdelay $0x2  }
0xf9: {  	[tilespmem:v1+s3+$0x0], v0 =	vst.idx.ret.add.f32.msk $0x1, v0  }
.LBB2_23:
0xfa: {  	p0 =	slt.s32 s2, $0x1  }
.Ltmp17:
0xfb: {  	_ = 	snop;
	(pc) =	sbr.rel @p0 .LBB2_27-.Ltmp17, $3  }
0xfc: {  	_ =	sdelay $0x1  }
0xfd: {  	s0 =	simm.s32 $0x6  }
0xfe: {  	[sflag:s0] =	ssyncpa.u1 $0x1;
	s0 =	simm.s32 $0x0  }
0xff: {  	s3 =	simm.s32 $0xC0  }
0x100: {  	v0 =	vld.msk [tilespmem:s3+$0x0], $0x1;
	_ =	sdelay $0x4  }
0x101: {  	(v2sf) =	vpush v0, $0x0;
	_ =	sdelay $0xe  }
0x102: {  	s2 =	sadd.s32 $0xFFFFFFFF, s2;
	s4 =	spop (v2sf)  }
0x103: {  	p1 =	sne.s32 s2, $0x0;
	p0 =	sgt.u32 s4, $0xFF  }
.Ltmp18:
0x104: {  	s5 =	sshrl.u32 @!p0 s4, $0x3;
	(pc) =	sbr.rel @!p1 .LBB2_26-.Ltmp18, $4  }
0x105: {  	s3 =	simm.s32 $0xE0;
	s4 =	sand.u32 @!p0 $0x7, s4;
	s5 =	sadd.s32 @!p0 s1, s5  }
0x106: {  	[hbm4b:s5+s4] =	stream.linear.scatter @!p0 [tilespmem:s3], [sflag:$0x5], $0x1, $0x38;
	[tilespmem:$0x2880] =	vst v63  }
0x107: {  	s5 =	simm.s32 $0x0  }
0x108: {  	s4 =	simm.s32 $0xC1;
	s5 =	simm.s32 @!p0 $0x4  }
.LBB2_25:
0x109: {  	v0 =	vld.msk [tilespmem:s4+$0x0], $0x1;
	s2 =	sadd.s32 $0xFFFFFFFF, s2;
	s0 =	sadd.s32 s0, s5  }
0x10a: {  	p0 =	sne.s32 s2, $0x0;
	_ =	sdelay $0x3  }
0x10b: {  	(v2sf) =	vpush v0, $0x0;
	_ =	sdelay $0xe  }
.Ltmp19:
0x10c: {  	s6 =	spop (v2sf);
	(pc) =	sbr.rel @p0 .LBB2_25-.Ltmp19, $4  }
0x10d: {  	s5 =	simm.s32 $0x0;
	p1 =	sgt.u32 s6, $0xFF  }
0x10e: {  	s3 =	sadd.s32 $0x1, s3;
	s5 =	simm.s32 @!p1 $0x4;
	s7 =	sshrl.u32 @!p1 s6, $0x3  }
0x10f: {  	s4 =	sadd.s32 $0x1, s4;
	s6 =	sand.u32 @!p1 $0x7, s6;
	s7 =	sadd.s32 @!p1 s1, s7  }
0x110: {  	[hbm4b:s7+s6] =	stream.linear.scatter @!p1 [tilespmem:s3], [sflag:$0x5], $0x1, $0x38;
	[tilespmem:$0x2880] =	vst v63  }
.LBB2_26:
0x111: {  	s0 =	sadd.s32 s0, s5  }
0x112: {  	s0 =	sshrl.u32 s0, $0x2  }
.LBB2_27:
0x113: {  	s1 =	simm.s32 $0x5  }
0x114: {  	_ =	swait.ge [sflag:s1], s0  }
0x115: {  	s28 =	ssub.s32 $0x0, s0;
	[sflag:s1] =	ssyncset.done $0x0  }
0x116: {  	[sflag:s1] =	ssyncadd.s32 s28  }
0x117: {  	[sflag:s1] =	ssyncpa.u1 $0x1  }
0x118: {  	s29 =	simm.s32 $0x1;
	_ =	sfence  }
0x119: {  	s30 =	simm.s32 $0x2;
	[sflag:s29] =	ssyncpa.u1 $0x1  }
0x11a: {  	[sflag:s30] =	ssyncpa.u1 $0x1  }
0x11b: {  	_ =	strace $0x90000047  }
0x11c: {  	[bflag:$0x2] =	sbarrier.arrive $0xFFFF  }
0x11d: {  	s31 =	rddreg [dreg:$0x3]  }
0x11e: {  	s0 =	sadd.s32 $0x100000, s31  }
0x11f: {  	[sflag:s0] =	ssyncadd.tile.s32 $0x1;
	_ =	shalt  }
.Lfunc_end2:
_tile_overlayer_lowered:
.L_overlay_start_2:
0x120: {  	(tag) =	ssettag $0x2  }
0x121: {  	s0 =	rddreg [dreg:$0x0];
	s2 =	stileid.u32  }
0x122: {  	s1 =	rddreg [dreg:$0x1];
	p0 =	sne.s32 s2, $0x0  }
0x123: {  	s3 =	rddreg [dreg:$0x2];
	[bflag:$0x3] =	sbarrier.arrive $0xFFFF;
	s2 =	simm.s32 @!p0 $0x1C01  }
0x124: {  	[timem:s3], [sflag:s2] =	dma.local @!p0 [hbm:s0], s1  }
0x125: {  	s0 =	simm.s32 @!p0 $0x1  }
0x126: {  	_ =	swait.ge @!p0 [sflag:s0], s1  }
0x127: {  	s1 =	ssub.s32 @!p0 $0x0, s1;
	[sflag:s0] =	ssyncset.done @!p0 $0x0  }
0x128: {  	[sflag:s0] =	ssyncadd.s32 @!p0 s1  }
0x129: {  	[bflag:$0x3] =	sbarrier.arrive $0xFFFF  }
0x12a: {  	_ =	shalt  }

</sc_bundles>
